<compile_context>
chip_gen: v7x
topology: tpu7x:2x2x1
jax: 0.10.2.dev20260603
libtpu: 0.0.44.dev20260713+nightly
codegen_flags: <defaults>
</compile_context>

<pallas_src>
import functools

import numpy as np
import jax
import jax.numpy as jnp
from jax import lax
from jax.experimental import pallas as pl
from jax.experimental.pallas import tpu as pltpu
from jax.experimental.pallas import tpu_sc as plsc

B = 4096
F = 26
V = 100000
DE = 64
NODES = F + 1

_li, _lj = np.tril_indices(NODES, -1)
_y_mask = _lj == 0
_P_Y = np.nonzero(_y_mask)[0]
_P_EE = np.nonzero(~_y_mask)[0]
_COLS_EE = (_li[~_y_mask] - 1) * F + (_lj[~_y_mask] - 1)

NC, NS = 2, 16
NW = NC * NS
ROWS = B * F
RPW = ROWS // NW
CH = 128
NCH = RPW // CH
JPF = B // CH


def _gather_body(table_hbm, idx_hbm, oidx_hbm, out_hbm, idx_v, oidx_v, buf,
                 gsem, ssem):
    wid = lax.axis_index("s") * NC + lax.axis_index("c")
    pltpu.sync_copy(idx_hbm.at[wid], idx_v)
    pltpu.sync_copy(oidx_hbm.at[wid], oidx_v)

    def chunk(c, carry):
        g = wid * NCH + c
        f = g // JPF
        pltpu.async_copy(table_hbm.at[f].at[idx_v.at[c]], buf, gsem).wait()
        pltpu.async_copy(buf, out_hbm.at[oidx_v.at[c]], ssem).wait()
        return carry

    lax.fori_loop(0, NCH, chunk, 0)


def _sc_gather(table3, idx3, oidx3):
    mesh = plsc.VectorSubcoreMesh(core_axis_name="c", subcore_axis_name="s")
    return pl.kernel(
        _gather_body,
        out_type=jax.ShapeDtypeStruct((ROWS, DE), jnp.float32),
        mesh=mesh,
        scratch_types=[
            pltpu.VMEM((NCH, CH), jnp.int32),
            pltpu.VMEM((NCH, CH), jnp.int32),
            pltpu.VMEM((CH, DE), jnp.float32),
            pltpu.SemaphoreType.DMA,
            pltpu.SemaphoreType.DMA,
        ],
        compiler_params=pltpu.CompilerParams(use_tc_tiling_on_sc=False),
    )(table3, idx3, oidx3)


def _dense_body(x_ref, e_ref, w0, b0, w1, b1, w2, b2, w3, b3,
                wy, wye, wee, tb0r, w5, b5, w6, b6, out_ref):
    def lin(h, w, b):
        return lax.dot_general(h, w[...], (((1,), (1,)), ((), ()))) + b[...]

    x = x_ref[...]
    e = e_ref[...]
    y = jnp.maximum(lin(x, w0, b0), 0)
    y = jnp.maximum(lin(y, w1, b1), 0)
    y = jnp.maximum(lin(y, w2, b2), 0)
    y = jnp.maximum(lin(y, w3, b3), 0)
    zye = jnp.sum(e * y[:, None, :], axis=2)
    zee = lax.dot_general(e, e, (((2,), (2,)), ((0,), (0,))))
    zee_f = zee.reshape(zee.shape[0], F * F)
    h = (lax.dot_general(y, wy[...], (((1,), (1,)), ((), ())))
         + lax.dot_general(zye, wye[...], (((1,), (1,)), ((), ())))
         + lax.dot_general(zee_f, wee[...], (((1,), (1,)), ((), ())))
         + tb0r[...])
    h = jnp.maximum(h, 0)
    h = jnp.maximum(lin(h, w5, b5), 0)
    o = jnp.sum(h * w6[...], axis=1, keepdims=True) + b6[0, 0]
    out_ref[...] = jax.nn.sigmoid(o)


def _dense_forward(x, e3, w0, b0, w1, b1, w2, b2, w3, b3,
                   wy, wye, wee, tb0, w5, b5, w6, b6, block_b=512):
    nblk = B // block_b
    full = lambda a: pl.BlockSpec(a.shape, lambda i: (0,) * a.ndim)
    args = (w0, b0, w1, b1, w2, b2, w3, b3, wy, wye, wee, tb0, w5, b5, w6, b6)
    return pl.pallas_call(
        _dense_body,
        grid=(nblk,),
        in_specs=[
            pl.BlockSpec((block_b, x.shape[1]), lambda i: (i, 0)),
            pl.BlockSpec((block_b, F, DE), lambda i: (i, 0, 0)),
            *[full(a) for a in args],
        ],
        out_specs=pl.BlockSpec((block_b, 1), lambda i: (i, 0)),
        out_shape=jax.ShapeDtypeStruct((B, 1), jnp.float32),
    )(x, e3, *args)


def kernel(dense_x, sparse_idx, emb_tables, bw0, bb0, bw1, bb1, bw2, bb2,
           bw3, bb3, tw0, tb0, tw1, tb1, tw2, tb2):
    sidx = sparse_idx.astype(jnp.int32)
    idx3 = sidx.reshape(NW, NCH, CH)
    g = np.arange(NW * NCH)
    orows = ((g % JPF)[:, None] * CH + np.arange(CH)[None, :]) * F \
        + (g // JPF)[:, None]
    oidx3 = jnp.asarray(orows.reshape(NW, NCH, CH), dtype=jnp.int32)
    emb_flat = _sc_gather(emb_tables, idx3, oidx3)
    e3 = emb_flat.reshape(B, F, DE)

    wy = tw0[:, :DE]
    wye = tw0[:, DE + _P_Y]
    wee = jnp.zeros((tw0.shape[0], F * F), tw0.dtype).at[:, _COLS_EE].set(
        tw0[:, DE + _P_EE])

    return _dense_forward(
        dense_x, e3, bw0, bb0[None, :], bw1, bb1[None, :], bw2, bb2[None, :],
        bw3, bb3[None, :], wy, wye, wee, tb0[None, :], tw1, tb1[None, :],
        tw2, tb2[None, :])

# --- scband reference (transcript-rebuilt; emitter-appended) ---
"""Pipeline reference for scband-dlrm-87720412054134 (READ-ONLY COPY).

The authoritative reference and input builder live on the scoring server;
editing this copy changes nothing except your own understanding.
"""

import jax, jax.numpy as jnp
import numpy as np

B = 4096
D_DENSE = 13
N_FIELDS = 26
VOCAB = 100000
D_EMB = 64
BOT = [D_DENSE, 512, 256, 64, D_EMB]
TOP = [D_EMB + ((N_FIELDS + 1) * N_FIELDS) // 2, 512, 256, 1]


def setup_inputs(seed: int = 0):
    key = jax.random.key(seed)
    ks = jax.random.split(key, 24)
    inp = {}
    inp["dense_x"] = jax.random.normal(ks[0], (B, D_DENSE), dtype=jnp.float32)
    inp["sparse_idx"] = jax.random.randint(ks[1], (N_FIELDS, B), 0, VOCAB)
    lim = 1.0 / np.sqrt(VOCAB)
    inp["emb_tables"] = jax.random.uniform(ks[2], (N_FIELDS, VOCAB, D_EMB), minval=-lim, maxval=lim, dtype=jnp.float32)
    for i in range(len(BOT) - 1):
        std = np.sqrt(2.0 / (BOT[i] + BOT[i + 1]))
        inp[f"bw{i}"] = (jax.random.normal(ks[3 + i], (BOT[i + 1], BOT[i])) * std).astype(jnp.float32)
        inp[f"bb{i}"] = (jax.random.normal(ks[8 + i], (BOT[i + 1],)) * np.sqrt(1.0 / BOT[i + 1])).astype(jnp.float32)
    for i in range(len(TOP) - 1):
        std = np.sqrt(2.0 / (TOP[i] + TOP[i + 1]))
        inp[f"tw{i}"] = (jax.random.normal(ks[13 + i], (TOP[i + 1], TOP[i])) * std).astype(jnp.float32)
        inp[f"tb{i}"] = (jax.random.normal(ks[17 + i], (TOP[i + 1],)) * np.sqrt(1.0 / TOP[i + 1])).astype(jnp.float32)
    return inp


def _dlrm_forward(dense_x, emb_tables, sparse_idx, bws, bbs, tws, tbs):
    # bottom MLP (relu activations, no sigmoid since bottom_sigmoid_layer_idx=None)
    y = dense_x
    for w, b in zip(bws, bbs):
        y = jax.nn.relu(y @ w.T + b)
    # embedding bag lookups: one index per bag per field -> plain gather (sum pooling over 1)
    emb = emb_tables[jnp.arange(N_FIELDS)[:, None], sparse_idx]  # [F, B, D_EMB]
    # product interaction: pairwise dot products among [bottom_out, emb_1..emb_F]
    T = jnp.concatenate([y[:, None, :], jnp.transpose(emb, (1, 0, 2))], axis=1)  # [B, F+1, D]
    Z = jnp.einsum('bnd,bmd->bnm', T, T)
    li, lj = jnp.tril_indices(N_FIELDS + 1, -1)
    R = jnp.concatenate([y, Z[:, li, lj]], axis=1)  # [B, D_EMB + (F+1)*F/2]
    # top MLP with sigmoid on the last layer (top_sigmoid_layer_idx=-1)
    h = R
    n = len(tws)
    for i, (w, b) in enumerate(zip(tws, tbs)):
        h = h @ w.T + b
        h = jax.nn.sigmoid(h) if i == n - 1 else jax.nn.relu(h)
    return h


def reference(dense_x, sparse_idx, emb_tables, bw0, bb0, bw1, bb1, bw2, bb2, bw3, bb3, tw0, tb0, tw1, tb1, tw2, tb2):
    bws = [bw0, bw1, bw2, bw3]
    bbs = [bb0, bb1, bb2, bb3]
    tws = [tw0, tw1, tw2]
    tbs = [tb0, tb1, tb2]
    return _dlrm_forward(dense_x, emb_tables, sparse_idx, bws, bbs, tws, tbs)

if __name__ == "__main__":
    import jax
    _d = setup_inputs()
    print(jax.jit(kernel)(*tuple(_d.values())))

</pallas_src>

<mosaic_0001>
#map = affine_map<(d0, d1) -> (0, 0, 0)>
#map1 = affine_map<(d0, d1) -> (0, 0)>
module attributes {stable_mosaic.version = 14 : i64} {
  func.func @_gather_body(%arg0: i32, %arg1: i32, %arg2: memref<26x100000x64xf32, #tpu.memory_space<hbm>>, %arg3: memref<32x26x128xi32, #tpu.memory_space<hbm>>, %arg4: memref<32x26x128xi32, #tpu.memory_space<hbm>>, %arg5: memref<106496x64xf32, #tpu.memory_space<hbm>>, %arg6: memref<26x128xi32, #tpu.memory_space<vmem>>, %arg7: memref<26x128xi32, #tpu.memory_space<vmem>>, %arg8: memref<128x64xf32, #tpu.memory_space<vmem>>, %arg9: memref<!tpu.dma_semaphore, #tpu.memory_space<semaphore_mem>>, %arg10: memref<!tpu.dma_semaphore, #tpu.memory_space<semaphore_mem>>) attributes {dimension_semantics = [#tpu.dimension_semantics<core_parallel>, #tpu.dimension_semantics<subcore_parallel>], iteration_bounds = array<i64: 2, 16>, scalar_prefetch = 0 : i64, scratch_operands = 5 : i64, tpu.core_type = #tpu.core_type<sc_vector_subcore>, window_params = [{transform_indices = #map}, {transform_indices = #map}, {transform_indices = #map}, {transform_indices = #map1}]} {
    %mul3A = arith.constant 2 : i32
    %mul3A_0 = arith.muli %arg1, %mul3A : i32
    %add3A = arith.addi %mul3A_0, %arg0 : i32
    "tpu.region"() ({
      %run_scoped3A = tpu.sem_alloc : memref<!tpu.dma_semaphore, #tpu.memory_space<semaphore_mem>>
      %dma_start3A = arith.constant 0 : i32
      %dma_start3A_6 = arith.constant 0 : i32
      %dma_start3A_7 = tpu.memref_slice %arg3[%add3A, %dma_start3A, %dma_start3A_6] : memref<32x26x128xi32, #tpu.memory_space<hbm>> -> memref<1x26x128xi32, #tpu.memory_space<hbm>>
      %dma_start3A_8 = tpu.memref_squeeze %dma_start3A_7 : memref<1x26x128xi32, #tpu.memory_space<hbm>> -> memref<26x128xi32, #tpu.memory_space<hbm>>
      %dma_start3A_9 = arith.constant 0 : i32
      %dma_start3A_10 = arith.constant 0 : i32
      %dma_start3A_11 = tpu.memref_slice %arg3[%add3A, %dma_start3A_9, %dma_start3A_10] : memref<32x26x128xi32, #tpu.memory_space<hbm>> -> memref<1x26x128xi32, #tpu.memory_space<hbm>>
      %dma_start3A_12 = tpu.memref_squeeze %dma_start3A_11 : memref<1x26x128xi32, #tpu.memory_space<hbm>> -> memref<26x128xi32, #tpu.memory_space<hbm>>
      tpu.enqueue_dma source(%dma_start3A_12 : memref<26x128xi32, #tpu.memory_space<hbm>>) target(%arg6 : memref<26x128xi32, #tpu.memory_space<vmem>>) target_semaphore(%run_scoped3A : memref<!tpu.dma_semaphore, #tpu.memory_space<semaphore_mem>>)
      %dma_wait3A = arith.constant 0 : i32
      %dma_wait3A_13 = arith.constant 0 : i32
      %dma_wait3A_14 = tpu.memref_slice %arg3[%add3A, %dma_wait3A, %dma_wait3A_13] : memref<32x26x128xi32, #tpu.memory_space<hbm>> -> memref<1x26x128xi32, #tpu.memory_space<hbm>>
      %dma_wait3A_15 = tpu.memref_squeeze %dma_wait3A_14 : memref<1x26x128xi32, #tpu.memory_space<hbm>> -> memref<26x128xi32, #tpu.memory_space<hbm>>
      %dma_wait3A_16 = arith.constant 0 : i32
      %dma_wait3A_17 = arith.constant 0 : i32
      %dma_wait3A_18 = tpu.memref_slice %arg3[%add3A, %dma_wait3A_16, %dma_wait3A_17] : memref<32x26x128xi32, #tpu.memory_space<hbm>> -> memref<1x26x128xi32, #tpu.memory_space<hbm>>
      %dma_wait3A_19 = tpu.memref_squeeze %dma_wait3A_18 : memref<1x26x128xi32, #tpu.memory_space<hbm>> -> memref<26x128xi32, #tpu.memory_space<hbm>>
      tpu.wait_dma2 semaphore(%run_scoped3A : memref<!tpu.dma_semaphore, #tpu.memory_space<semaphore_mem>>) src(%dma_wait3A_19 : memref<26x128xi32, #tpu.memory_space<hbm>>) dst(%arg6 : memref<26x128xi32, #tpu.memory_space<vmem>>)
      tpu.yield
    }) : () -> ()
    "tpu.region"() ({
      %run_scoped3A = tpu.sem_alloc : memref<!tpu.dma_semaphore, #tpu.memory_space<semaphore_mem>>
      %dma_start3A = arith.constant 0 : i32
      %dma_start3A_6 = arith.constant 0 : i32
      %dma_start3A_7 = tpu.memref_slice %arg4[%add3A, %dma_start3A, %dma_start3A_6] : memref<32x26x128xi32, #tpu.memory_space<hbm>> -> memref<1x26x128xi32, #tpu.memory_space<hbm>>
      %dma_start3A_8 = tpu.memref_squeeze %dma_start3A_7 : memref<1x26x128xi32, #tpu.memory_space<hbm>> -> memref<26x128xi32, #tpu.memory_space<hbm>>
      %dma_start3A_9 = arith.constant 0 : i32
      %dma_start3A_10 = arith.constant 0 : i32
      %dma_start3A_11 = tpu.memref_slice %arg4[%add3A, %dma_start3A_9, %dma_start3A_10] : memref<32x26x128xi32, #tpu.memory_space<hbm>> -> memref<1x26x128xi32, #tpu.memory_space<hbm>>
      %dma_start3A_12 = tpu.memref_squeeze %dma_start3A_11 : memref<1x26x128xi32, #tpu.memory_space<hbm>> -> memref<26x128xi32, #tpu.memory_space<hbm>>
      tpu.enqueue_dma source(%dma_start3A_12 : memref<26x128xi32, #tpu.memory_space<hbm>>) target(%arg7 : memref<26x128xi32, #tpu.memory_space<vmem>>) target_semaphore(%run_scoped3A : memref<!tpu.dma_semaphore, #tpu.memory_space<semaphore_mem>>)
      %dma_wait3A = arith.constant 0 : i32
      %dma_wait3A_13 = arith.constant 0 : i32
      %dma_wait3A_14 = tpu.memref_slice %arg4[%add3A, %dma_wait3A, %dma_wait3A_13] : memref<32x26x128xi32, #tpu.memory_space<hbm>> -> memref<1x26x128xi32, #tpu.memory_space<hbm>>
      %dma_wait3A_15 = tpu.memref_squeeze %dma_wait3A_14 : memref<1x26x128xi32, #tpu.memory_space<hbm>> -> memref<26x128xi32, #tpu.memory_space<hbm>>
      %dma_wait3A_16 = arith.constant 0 : i32
      %dma_wait3A_17 = arith.constant 0 : i32
      %dma_wait3A_18 = tpu.memref_slice %arg4[%add3A, %dma_wait3A_16, %dma_wait3A_17] : memref<32x26x128xi32, #tpu.memory_space<hbm>> -> memref<1x26x128xi32, #tpu.memory_space<hbm>>
      %dma_wait3A_19 = tpu.memref_squeeze %dma_wait3A_18 : memref<1x26x128xi32, #tpu.memory_space<hbm>> -> memref<26x128xi32, #tpu.memory_space<hbm>>
      tpu.wait_dma2 semaphore(%run_scoped3A : memref<!tpu.dma_semaphore, #tpu.memory_space<semaphore_mem>>) src(%dma_wait3A_19 : memref<26x128xi32, #tpu.memory_space<hbm>>) dst(%arg7 : memref<26x128xi32, #tpu.memory_space<vmem>>)
      tpu.yield
    }) : () -> ()
    %scan3A = arith.constant 0 : i32
    %scan3A_1 = arith.constant 0 : i32
    %scan3A_2 = arith.constant 26 : i32
    %scan3A_3 = arith.addi %scan3A_1, %scan3A_2 : i32
    %scan3A_4 = arith.constant 1 : i32
    scf.for %scan3A_6 = %scan3A_1 to %scan3A_3 step %scan3A_4  : i32 {
      %mul3A_7 = arith.constant 26 : i32
      %mul3A_8 = arith.muli %add3A, %mul3A_7 : i32
      %add3A_9 = arith.addi %mul3A_8, %scan3A_6 : i32
      %jit3A = arith.constant 32 : i32
      %div3A = arith.divsi %add3A_9, %jit3A : i32
      %sign3A = arith.constant 0 : i32
      %sign3A_10 = arith.cmpi sgt, %add3A_9, %sign3A : i32
      %sign3A_11 = arith.extui %sign3A_10 : i1 to i32
      %sign3A_12 = arith.constant 0 : i32
      %sign3A_13 = arith.cmpi slt, %add3A_9, %sign3A_12 : i32
      %sign3A_14 = arith.extui %sign3A_13 : i1 to i32
      %sign3A_15 = arith.subi %sign3A_11, %sign3A_14 : i32
      %sign3A_16 = arith.constant 0 : i32
      %sign3A_17 = arith.cmpi sgt, %jit3A, %sign3A_16 : i32
      %sign3A_18 = arith.extui %sign3A_17 : i1 to i32
      %sign3A_19 = arith.constant 0 : i32
      %sign3A_20 = arith.cmpi slt, %jit3A, %sign3A_19 : i32
      %sign3A_21 = arith.extui %sign3A_20 : i1 to i32
      %sign3A_22 = arith.subi %sign3A_18, %sign3A_21 : i32
      %ne3A = arith.cmpi ne, %sign3A_15, %sign3A_22 : i32
      %rem3A = arith.remsi %add3A_9, %jit3A : i32
      %ne3A_23 = arith.constant 0 : i32
      %ne3A_24 = arith.cmpi ne, %rem3A, %ne3A_23 : i32
      %and3A = arith.andi %ne3A, %ne3A_24 : i1
      %sub3A = arith.constant 1 : i32
      %sub3A_25 = arith.subi %div3A, %sub3A : i32
      %select_n3A = arith.select %and3A, %sub3A_25, %div3A : i32
      %dma_start3A = arith.constant 0 : i32
      %dma_start3A_26 = tpu.memref_slice %arg6[%scan3A_6, %dma_start3A] : memref<26x128xi32, #tpu.memory_space<vmem>> -> memref<1x128xi32, #tpu.memory_space<vmem>>
      %dma_start3A_27 = tpu.memref_squeeze %dma_start3A_26 : memref<1x128xi32, #tpu.memory_space<vmem>> -> memref<128xi32, #tpu.memory_space<vmem>>
      %dma_start3A_28 = arith.constant 0 : i32
      %dma_start3A_29 = arith.constant 0 : i32
      %dma_start3A_30 = tpu.memref_slice %arg2[%select_n3A, %dma_start3A_28, %dma_start3A_29] : memref<26x100000x64xf32, #tpu.memory_space<hbm>> -> memref<1x100000x64xf32, #tpu.memory_space<hbm>>
      %dma_start3A_31 = tpu.memref_squeeze %dma_start3A_30 : memref<1x100000x64xf32, #tpu.memory_space<hbm>> -> memref<100000x64xf32, #tpu.memory_space<hbm>>
      %dma_start3A_32 = arith.constant 0 : i32
      %dma_start3A_33 = arith.constant 0 : i32
      %dma_start3A_34 = tpu.memref_slice %dma_start3A_31[%dma_start3A_32, %dma_start3A_33] : memref<100000x64xf32, #tpu.memory_space<hbm>> -> memref<100000x64xf32, #tpu.memory_space<hbm>>
      tpu.enqueue_indirect_dma source(%dma_start3A_34 : memref<100000x64xf32, #tpu.memory_space<hbm>>) target(%arg8 : memref<128x64xf32, #tpu.memory_space<vmem>>) offsets(%dma_start3A_27 : memref<128xi32, #tpu.memory_space<vmem>>) semaphore(%arg9 : memref<!tpu.dma_semaphore, #tpu.memory_space<semaphore_mem>>)
      %dma_wait3A = arith.constant 0 : i32
      %dma_wait3A_35 = tpu.memref_slice %arg6[%scan3A_6, %dma_wait3A] : memref<26x128xi32, #tpu.memory_space<vmem>> -> memref<1x128xi32, #tpu.memory_space<vmem>>
      %dma_wait3A_36 = tpu.memref_squeeze %dma_wait3A_35 : memref<1x128xi32, #tpu.memory_space<vmem>> -> memref<128xi32, #tpu.memory_space<vmem>>
      %dma_wait3A_37 = arith.constant 0 : i32
      %dma_wait3A_38 = arith.constant 0 : i32
      %dma_wait3A_39 = tpu.memref_slice %arg2[%select_n3A, %dma_wait3A_37, %dma_wait3A_38] : memref<26x100000x64xf32, #tpu.memory_space<hbm>> -> memref<1x100000x64xf32, #tpu.memory_space<hbm>>
      %dma_wait3A_40 = tpu.memref_squeeze %dma_wait3A_39 : memref<1x100000x64xf32, #tpu.memory_space<hbm>> -> memref<100000x64xf32, #tpu.memory_space<hbm>>
      %dma_wait3A_41 = arith.constant 0 : i32
      %dma_wait3A_42 = arith.constant 0 : i32
      %dma_wait3A_43 = tpu.memref_slice %dma_wait3A_40[%dma_wait3A_41, %dma_wait3A_42] : memref<100000x64xf32, #tpu.memory_space<hbm>> -> memref<100000x64xf32, #tpu.memory_space<hbm>>
      tpu.wait_indirect_dma semaphore(%arg9 : memref<!tpu.dma_semaphore, #tpu.memory_space<semaphore_mem>>) src(%dma_wait3A_43 : memref<100000x64xf32, #tpu.memory_space<hbm>>) dst(%arg8 : memref<128x64xf32, #tpu.memory_space<vmem>>)
      %dma_start3A_44 = arith.constant 0 : i32
      %dma_start3A_45 = tpu.memref_slice %arg7[%scan3A_6, %dma_start3A_44] : memref<26x128xi32, #tpu.memory_space<vmem>> -> memref<1x128xi32, #tpu.memory_space<vmem>>
      %dma_start3A_46 = tpu.memref_squeeze %dma_start3A_45 : memref<1x128xi32, #tpu.memory_space<vmem>> -> memref<128xi32, #tpu.memory_space<vmem>>
      %dma_start3A_47 = arith.constant 0 : i32
      %dma_start3A_48 = arith.constant 0 : i32
      %dma_start3A_49 = tpu.memref_slice %arg5[%dma_start3A_47, %dma_start3A_48] : memref<106496x64xf32, #tpu.memory_space<hbm>> -> memref<106496x64xf32, #tpu.memory_space<hbm>>
      tpu.enqueue_indirect_dma source(%arg8 : memref<128x64xf32, #tpu.memory_space<vmem>>) target(%dma_start3A_49 : memref<106496x64xf32, #tpu.memory_space<hbm>>) offsets(%dma_start3A_46 : memref<128xi32, #tpu.memory_space<vmem>>) semaphore(%arg10 : memref<!tpu.dma_semaphore, #tpu.memory_space<semaphore_mem>>)
      %dma_wait3A_50 = arith.constant 0 : i32
      %dma_wait3A_51 = tpu.memref_slice %arg7[%scan3A_6, %dma_wait3A_50] : memref<26x128xi32, #tpu.memory_space<vmem>> -> memref<1x128xi32, #tpu.memory_space<vmem>>
      %dma_wait3A_52 = tpu.memref_squeeze %dma_wait3A_51 : memref<1x128xi32, #tpu.memory_space<vmem>> -> memref<128xi32, #tpu.memory_space<vmem>>
      %dma_wait3A_53 = arith.constant 0 : i32
      %dma_wait3A_54 = arith.constant 0 : i32
      %dma_wait3A_55 = tpu.memref_slice %arg5[%dma_wait3A_53, %dma_wait3A_54] : memref<106496x64xf32, #tpu.memory_space<hbm>> -> memref<106496x64xf32, #tpu.memory_space<hbm>>
      tpu.wait_indirect_dma semaphore(%arg10 : memref<!tpu.dma_semaphore, #tpu.memory_space<semaphore_mem>>) src(%arg8 : memref<128x64xf32, #tpu.memory_space<vmem>>) dst(%dma_wait3A_55 : memref<106496x64xf32, #tpu.memory_space<hbm>>)
    }
    %scan3A_5 = arith.constant 26 : i32
    return
  }
}

module attributes {stable_mosaic.version = 14 : i64} {
  func.func @_dense_body(%arg0: i32, %arg1: memref<512x13xf32, #tpu.memory_space<vmem>>, %arg2: memref<512x26x64xf32, #tpu.memory_space<vmem>>, %arg3: memref<512x13xf32, #tpu.memory_space<vmem>>, %arg4: memref<1x512xf32, #tpu.memory_space<vmem>>, %arg5: memref<256x512xf32, #tpu.memory_space<vmem>>, %arg6: memref<1x256xf32, #tpu.memory_space<vmem>>, %arg7: memref<64x256xf32, #tpu.memory_space<vmem>>, %arg8: memref<1x64xf32, #tpu.memory_space<vmem>>, %arg9: memref<64x64xf32, #tpu.memory_space<vmem>>, %arg10: memref<1x64xf32, #tpu.memory_space<vmem>>, %arg11: memref<512x64xf32, #tpu.memory_space<vmem>>, %arg12: memref<512x26xf32, #tpu.memory_space<vmem>>, %arg13: memref<512x676xf32, #tpu.memory_space<vmem>>, %arg14: memref<1x512xf32, #tpu.memory_space<vmem>>, %arg15: memref<256x512xf32, #tpu.memory_space<vmem>>, %arg16: memref<1x256xf32, #tpu.memory_space<vmem>>, %arg17: memref<1x256xf32, #tpu.memory_space<vmem>>, %arg18: memref<1x1xf32, #tpu.memory_space<vmem>>, %arg19: memref<512x1xf32, #tpu.memory_space<vmem>>) attributes {dimension_semantics = [#tpu.dimension_semantics<arbitrary>], iteration_bounds = array<i64: 8>, scalar_prefetch = 0 : i64, scratch_operands = 0 : i64, tpu.core_type = #tpu.core_type<tc>, window_params = [{transform_indices = @transform_0, window_bounds = array<i64: 512, 13>}, {transform_indices = @transform_1, window_bounds = array<i64: 512, 26, 64>}, {pipeline_mode = #tpu.pipeline_mode<synchronous>, transform_indices = @transform_2, window_bounds = array<i64: 512, 13>}, {pipeline_mode = #tpu.pipeline_mode<synchronous>, transform_indices = @transform_3, window_bounds = array<i64: 1, 512>}, {pipeline_mode = #tpu.pipeline_mode<synchronous>, transform_indices = @transform_4, window_bounds = array<i64: 256, 512>}, {pipeline_mode = #tpu.pipeline_mode<synchronous>, transform_indices = @transform_5, window_bounds = array<i64: 1, 256>}, {pipeline_mode = #tpu.pipeline_mode<synchronous>, transform_indices = @transform_6, window_bounds = array<i64: 64, 256>}, {pipeline_mode = #tpu.pipeline_mode<synchronous>, transform_indices = @transform_7, window_bounds = array<i64: 1, 64>}, {pipeline_mode = #tpu.pipeline_mode<synchronous>, transform_indices = @transform_8, window_bounds = array<i64: 64, 64>}, {pipeline_mode = #tpu.pipeline_mode<synchronous>, transform_indices = @transform_9, window_bounds = array<i64: 1, 64>}, {pipeline_mode = #tpu.pipeline_mode<synchronous>, transform_indices = @transform_10, window_bounds = array<i64: 512, 64>}, {pipeline_mode = #tpu.pipeline_mode<synchronous>, transform_indices = @transform_11, window_bounds = array<i64: 512, 26>}, {pipeline_mode = #tpu.pipeline_mode<synchronous>, transform_indices = @transform_12, window_bounds = array<i64: 512, 676>}, {pipeline_mode = #tpu.pipeline_mode<synchronous>, transform_indices = @transform_13, window_bounds = array<i64: 1, 512>}, {pipeline_mode = #tpu.pipeline_mode<synchronous>, transform_indices = @transform_14, window_bounds = array<i64: 256, 512>}, {pipeline_mode = #tpu.pipeline_mode<synchronous>, transform_indices = @transform_15, window_bounds = array<i64: 1, 256>}, {pipeline_mode = #tpu.pipeline_mode<synchronous>, transform_indices = @transform_16, window_bounds = array<i64: 1, 256>}, {pipeline_mode = #tpu.pipeline_mode<synchronous>, transform_indices = @transform_17, window_bounds = array<i64: 1, 1>}, {transform_indices = @transform_18, window_bounds = array<i64: 512, 1>}]} {
    %get3A = arith.constant 0 : index
    %get3A_0 = arith.constant 0 : index
    %get3A_1 = vector.load %arg1[%get3A, %get3A_0] : memref<512x13xf32, #tpu.memory_space<vmem>>, vector<512x13xf32>
    %get3A_2 = arith.constant 0 : index
    %get3A_3 = arith.constant 0 : index
    %get3A_4 = arith.constant 0 : index
    %get3A_5 = vector.load %arg2[%get3A_2, %get3A_3, %get3A_4] : memref<512x26x64xf32, #tpu.memory_space<vmem>>, vector<512x26x64xf32>
    %get3A_6 = arith.constant 0 : index
    %get3A_7 = arith.constant 0 : index
    %get3A_8 = vector.load %arg3[%get3A_6, %get3A_7] : memref<512x13xf32, #tpu.memory_space<vmem>>, vector<512x13xf32>
    %dot_general3A = arith.constant dense<0.000000e+00> : vector<512x512xf32>
    %dot_general3A_9 = tpu.matmul %get3A_1, %get3A_8, %dot_general3A {dimension_numbers = #tpu.dot_dimension_numbers<[1], [1], [0], [0], [0, 0, 1, 0], [], []>, transpose_lhs_hint = false} : vector<512x13xf32>, vector<512x13xf32>, vector<512x512xf32> -> vector<512x512xf32>
    %get3A_10 = arith.constant 0 : index
    %get3A_11 = arith.constant 0 : index
    %get3A_12 = vector.load %arg4[%get3A_10, %get3A_11] : memref<1x512xf32, #tpu.memory_space<vmem>>, vector<1x512xf32>
    %add3A = vector.broadcast %get3A_12 : vector<1x512xf32> to vector<512x512xf32>
    %add3A_13 = arith.addf %dot_general3A_9, %add3A : vector<512x512xf32>
    %max3A = arith.constant 0.000000e+00 : f32
    %max3A_14 = vector.broadcast %max3A : f32 to vector<512x512xf32>
    %max3A_15 = arith.maximumf %add3A_13, %max3A_14 : vector<512x512xf32>
    %get3A_16 = arith.constant 0 : index
    %get3A_17 = arith.constant 0 : index
    %get3A_18 = vector.load %arg5[%get3A_16, %get3A_17] : memref<256x512xf32, #tpu.memory_space<vmem>>, vector<256x512xf32>
    %dot_general3A_19 = arith.constant dense<0.000000e+00> : vector<512x256xf32>
    %dot_general3A_20 = tpu.matmul %max3A_15, %get3A_18, %dot_general3A_19 {dimension_numbers = #tpu.dot_dimension_numbers<[1], [1], [0], [0], [0, 0, 1, 0], [], []>, transpose_lhs_hint = false} : vector<512x512xf32>, vector<256x512xf32>, vector<512x256xf32> -> vector<512x256xf32>
    %get3A_21 = arith.constant 0 : index
    %get3A_22 = arith.constant 0 : index
    %get3A_23 = vector.load %arg6[%get3A_21, %get3A_22] : memref<1x256xf32, #tpu.memory_space<vmem>>, vector<1x256xf32>
    %add3A_24 = vector.broadcast %get3A_23 : vector<1x256xf32> to vector<512x256xf32>
    %add3A_25 = arith.addf %dot_general3A_20, %add3A_24 : vector<512x256xf32>
    %max3A_26 = arith.constant 0.000000e+00 : f32
    %max3A_27 = vector.broadcast %max3A_26 : f32 to vector<512x256xf32>
    %max3A_28 = arith.maximumf %add3A_25, %max3A_27 : vector<512x256xf32>
    %get3A_29 = arith.constant 0 : index
    %get3A_30 = arith.constant 0 : index
    %get3A_31 = vector.load %arg7[%get3A_29, %get3A_30] : memref<64x256xf32, #tpu.memory_space<vmem>>, vector<64x256xf32>
    %dot_general3A_32 = arith.constant dense<0.000000e+00> : vector<512x64xf32>
    %dot_general3A_33 = tpu.matmul %max3A_28, %get3A_31, %dot_general3A_32 {dimension_numbers = #tpu.dot_dimension_numbers<[1], [1], [0], [0], [0, 0, 1, 0], [], []>, transpose_lhs_hint = false} : vector<512x256xf32>, vector<64x256xf32>, vector<512x64xf32> -> vector<512x64xf32>
    %get3A_34 = arith.constant 0 : index
    %get3A_35 = arith.constant 0 : index
    %get3A_36 = vector.load %arg8[%get3A_34, %get3A_35] : memref<1x64xf32, #tpu.memory_space<vmem>>, vector<1x64xf32>
    %add3A_37 = vector.broadcast %get3A_36 : vector<1x64xf32> to vector<512x64xf32>
    %add3A_38 = arith.addf %dot_general3A_33, %add3A_37 : vector<512x64xf32>
    %max3A_39 = arith.constant 0.000000e+00 : f32
    %max3A_40 = vector.broadcast %max3A_39 : f32 to vector<512x64xf32>
    %max3A_41 = arith.maximumf %add3A_38, %max3A_40 : vector<512x64xf32>
    %get3A_42 = arith.constant 0 : index
    %get3A_43 = arith.constant 0 : index
    %get3A_44 = vector.load %arg9[%get3A_42, %get3A_43] : memref<64x64xf32, #tpu.memory_space<vmem>>, vector<64x64xf32>
    %dot_general3A_45 = arith.constant dense<0.000000e+00> : vector<512x64xf32>
    %dot_general3A_46 = tpu.matmul %max3A_41, %get3A_44, %dot_general3A_45 {dimension_numbers = #tpu.dot_dimension_numbers<[1], [1], [0], [0], [0, 0, 1, 0], [], []>, transpose_lhs_hint = false} : vector<512x64xf32>, vector<64x64xf32>, vector<512x64xf32> -> vector<512x64xf32>
    %get3A_47 = arith.constant 0 : index
    %get3A_48 = arith.constant 0 : index
    %get3A_49 = vector.load %arg10[%get3A_47, %get3A_48] : memref<1x64xf32, #tpu.memory_space<vmem>>, vector<1x64xf32>
    %add3A_50 = vector.broadcast %get3A_49 : vector<1x64xf32> to vector<512x64xf32>
    %add3A_51 = arith.addf %dot_general3A_46, %add3A_50 : vector<512x64xf32>
    %max3A_52 = arith.constant 0.000000e+00 : f32
    %max3A_53 = vector.broadcast %max3A_52 : f32 to vector<512x64xf32>
    %max3A_54 = arith.maximumf %add3A_51, %max3A_53 : vector<512x64xf32>
    %broadcast_in_dim3A = vector.shape_cast %max3A_54 : vector<512x64xf32> to vector<512x1x64xf32>
    %mul3A = vector.broadcast %broadcast_in_dim3A : vector<512x1x64xf32> to vector<512x26x64xf32>
    %mul3A_55 = arith.mulf %get3A_5, %mul3A : vector<512x26x64xf32>
    %reduce_sum3A = arith.constant dense<0.000000e+00> : vector<512x26xf32>
    %reduce_sum3A_56 = vector.multi_reduction <add>, %mul3A_55, %reduce_sum3A [2] : vector<512x26x64xf32> to vector<512x26xf32>
    %dot_general3A_57 = arith.constant dense<0.000000e+00> : vector<512x26x26xf32>
    %dot_general3A_58 = tpu.matmul %get3A_5, %get3A_5, %dot_general3A_57 {dimension_numbers = #tpu.dot_dimension_numbers<[2], [2], [1], [1], [0, 0, 0, 1, 1, 1], [0], [0]>, transpose_lhs_hint = false} : vector<512x26x64xf32>, vector<512x26x64xf32>, vector<512x26x26xf32> -> vector<512x26x26xf32>
    %reshape3A = vector.shape_cast %dot_general3A_58 : vector<512x26x26xf32> to vector<512x676xf32>
    %get3A_59 = arith.constant 0 : index
    %get3A_60 = arith.constant 0 : index
    %get3A_61 = vector.load %arg11[%get3A_59, %get3A_60] : memref<512x64xf32, #tpu.memory_space<vmem>>, vector<512x64xf32>
    %dot_general3A_62 = arith.constant dense<0.000000e+00> : vector<512x512xf32>
    %dot_general3A_63 = tpu.matmul %max3A_54, %get3A_61, %dot_general3A_62 {dimension_numbers = #tpu.dot_dimension_numbers<[1], [1], [0], [0], [0, 0, 1, 0], [], []>, transpose_lhs_hint = false} : vector<512x64xf32>, vector<512x64xf32>, vector<512x512xf32> -> vector<512x512xf32>
    %get3A_64 = arith.constant 0 : index
    %get3A_65 = arith.constant 0 : index
    %get3A_66 = vector.load %arg12[%get3A_64, %get3A_65] : memref<512x26xf32, #tpu.memory_space<vmem>>, vector<512x26xf32>
    %dot_general3A_67 = arith.constant dense<0.000000e+00> : vector<512x512xf32>
    %dot_general3A_68 = tpu.matmul %reduce_sum3A_56, %get3A_66, %dot_general3A_67 {dimension_numbers = #tpu.dot_dimension_numbers<[1], [1], [0], [0], [0, 0, 1, 0], [], []>, transpose_lhs_hint = false} : vector<512x26xf32>, vector<512x26xf32>, vector<512x512xf32> -> vector<512x512xf32>
    %add3A_69 = arith.addf %dot_general3A_63, %dot_general3A_68 : vector<512x512xf32>
    %get3A_70 = arith.constant 0 : index
    %get3A_71 = arith.constant 0 : index
    %get3A_72 = vector.load %arg13[%get3A_70, %get3A_71] : memref<512x676xf32, #tpu.memory_space<vmem>>, vector<512x676xf32>
    %dot_general3A_73 = arith.constant dense<0.000000e+00> : vector<512x512xf32>
    %dot_general3A_74 = tpu.matmul %reshape3A, %get3A_72, %dot_general3A_73 {dimension_numbers = #tpu.dot_dimension_numbers<[1], [1], [0], [0], [0, 0, 1, 0], [], []>, transpose_lhs_hint = false} : vector<512x676xf32>, vector<512x676xf32>, vector<512x512xf32> -> vector<512x512xf32>
    %add3A_75 = arith.addf %add3A_69, %dot_general3A_74 : vector<512x512xf32>
    %get3A_76 = arith.constant 0 : index
    %get3A_77 = arith.constant 0 : index
    %get3A_78 = vector.load %arg14[%get3A_76, %get3A_77] : memref<1x512xf32, #tpu.memory_space<vmem>>, vector<1x512xf32>
    %add3A_79 = vector.broadcast %get3A_78 : vector<1x512xf32> to vector<512x512xf32>
    %add3A_80 = arith.addf %add3A_75, %add3A_79 : vector<512x512xf32>
    %max3A_81 = arith.constant 0.000000e+00 : f32
    %max3A_82 = vector.broadcast %max3A_81 : f32 to vector<512x512xf32>
    %max3A_83 = arith.maximumf %add3A_80, %max3A_82 : vector<512x512xf32>
    %get3A_84 = arith.constant 0 : index
    %get3A_85 = arith.constant 0 : index
    %get3A_86 = vector.load %arg15[%get3A_84, %get3A_85] : memref<256x512xf32, #tpu.memory_space<vmem>>, vector<256x512xf32>
    %dot_general3A_87 = arith.constant dense<0.000000e+00> : vector<512x256xf32>
    %dot_general3A_88 = tpu.matmul %max3A_83, %get3A_86, %dot_general3A_87 {dimension_numbers = #tpu.dot_dimension_numbers<[1], [1], [0], [0], [0, 0, 1, 0], [], []>, transpose_lhs_hint = false} : vector<512x512xf32>, vector<256x512xf32>, vector<512x256xf32> -> vector<512x256xf32>
    %get3A_89 = arith.constant 0 : index
    %get3A_90 = arith.constant 0 : index
    %get3A_91 = vector.load %arg16[%get3A_89, %get3A_90] : memref<1x256xf32, #tpu.memory_space<vmem>>, vector<1x256xf32>
    %add3A_92 = vector.broadcast %get3A_91 : vector<1x256xf32> to vector<512x256xf32>
    %add3A_93 = arith.addf %dot_general3A_88, %add3A_92 : vector<512x256xf32>
    %max3A_94 = arith.constant 0.000000e+00 : f32
    %max3A_95 = vector.broadcast %max3A_94 : f32 to vector<512x256xf32>
    %max3A_96 = arith.maximumf %add3A_93, %max3A_95 : vector<512x256xf32>
    %get3A_97 = arith.constant 0 : index
    %get3A_98 = arith.constant 0 : index
    %get3A_99 = vector.load %arg17[%get3A_97, %get3A_98] : memref<1x256xf32, #tpu.memory_space<vmem>>, vector<1x256xf32>
    %mul3A_100 = vector.broadcast %get3A_99 : vector<1x256xf32> to vector<512x256xf32>
    %mul3A_101 = arith.mulf %max3A_96, %mul3A_100 : vector<512x256xf32>
    %reduce_sum3A_102 = arith.constant dense<0.000000e+00> : vector<512xf32>
    %reduce_sum3A_103 = vector.multi_reduction <add>, %mul3A_101, %reduce_sum3A_102 [1] : vector<512x256xf32> to vector<512xf32>
    %broadcast_in_dim3A_104 = vector.shape_cast %reduce_sum3A_103 : vector<512xf32> to vector<512x1xf32>
    %get3A_105 = arith.constant 0 : index
    %get3A_106 = arith.constant 0 : index
    %get3A_107 = vector.load %arg18[%get3A_105, %get3A_106] : memref<1x1xf32, #tpu.memory_space<vmem>>, vector<1x1xf32>
    %get3A_108 = vector.extract %get3A_107[0, 0] : f32 from vector<1x1xf32>
    %add3A_109 = vector.broadcast %get3A_108 : f32 to vector<512x1xf32>
    %add3A_110 = arith.addf %broadcast_in_dim3A_104, %add3A_109 : vector<512x1xf32>
    %logistic3A = arith.negf %add3A_110 : vector<512x1xf32>
    %logistic3A_111 = math.exp %logistic3A : vector<512x1xf32>
    %logistic3A_112 = arith.constant 1.000000e+00 : f32
    %logistic3A_113 = vector.broadcast %logistic3A_112 : f32 to vector<512x1xf32>
    %logistic3A_114 = arith.addf %logistic3A_113, %logistic3A_111 : vector<512x1xf32>
    %logistic3A_115 = arith.divf %logistic3A_113, %logistic3A_114 : vector<512x1xf32>
    %swap3A = arith.constant 0 : index
    %swap3A_116 = arith.constant 0 : index
    %swap3A_117 = vector.load %arg19[%swap3A, %swap3A_116] : memref<512x1xf32, #tpu.memory_space<vmem>>, vector<512x1xf32>
    tpu.vector_store %arg19[%swap3A, %swap3A_116], %logistic3A_115 {strides = array<i32>} : memref<512x1xf32, #tpu.memory_space<vmem>>, vector<512x1xf32>,
    return
  }
  func.func @transform_0(%arg0: i32) -> (i32, i32) {
    %c0_i32 = arith.constant 0 : i32
    %c0_i32_0 = arith.constant 0 : i32
    return %arg0, %c0_i32 : i32, i32
  }
  func.func @transform_1(%arg0: i32) -> (i32, i32, i32) {
    %c0_i32 = arith.constant 0 : i32
    %c0_i32_0 = arith.constant 0 : i32
    %c0_i32_1 = arith.constant 0 : i32
    return %arg0, %c0_i32, %c0_i32_0 : i32, i32, i32
  }
  func.func @transform_2(%arg0: i32) -> (i32, i32) {
    %c0_i32 = arith.constant 0 : i32
    %c0_i32_0 = arith.constant 0 : i32
    %c0_i32_1 = arith.constant 0 : i32
    return %c0_i32, %c0_i32_0 : i32, i32
  }
  func.func @transform_3(%arg0: i32) -> (i32, i32) {
    %c0_i32 = arith.constant 0 : i32
    %c0_i32_0 = arith.constant 0 : i32
    %c0_i32_1 = arith.constant 0 : i32
    return %c0_i32, %c0_i32_0 : i32, i32
  }
  func.func @transform_4(%arg0: i32) -> (i32, i32) {
    %c0_i32 = arith.constant 0 : i32
    %c0_i32_0 = arith.constant 0 : i32
    %c0_i32_1 = arith.constant 0 : i32
    return %c0_i32, %c0_i32_0 : i32, i32
  }
  func.func @transform_5(%arg0: i32) -> (i32, i32) {
    %c0_i32 = arith.constant 0 : i32
    %c0_i32_0 = arith.constant 0 : i32
    %c0_i32_1 = arith.constant 0 : i32
    return %c0_i32, %c0_i32_0 : i32, i32
  }
  func.func @transform_6(%arg0: i32) -> (i32, i32) {
    %c0_i32 = arith.constant 0 : i32
    %c0_i32_0 = arith.constant 0 : i32
    %c0_i32_1 = arith.constant 0 : i32
    return %c0_i32, %c0_i32_0 : i32, i32
  }
  func.func @transform_7(%arg0: i32) -> (i32, i32) {
    %c0_i32 = arith.constant 0 : i32
    %c0_i32_0 = arith.constant 0 : i32
    %c0_i32_1 = arith.constant 0 : i32
    return %c0_i32, %c0_i32_0 : i32, i32
  }
  func.func @transform_8(%arg0: i32) -> (i32, i32) {
    %c0_i32 = arith.constant 0 : i32
    %c0_i32_0 = arith.constant 0 : i32
    %c0_i32_1 = arith.constant 0 : i32
    return %c0_i32, %c0_i32_0 : i32, i32
  }
  func.func @transform_9(%arg0: i32) -> (i32, i32) {
    %c0_i32 = arith.constant 0 : i32
    %c0_i32_0 = arith.constant 0 : i32
    %c0_i32_1 = arith.constant 0 : i32
    return %c0_i32, %c0_i32_0 : i32, i32
  }
  func.func @transform_10(%arg0: i32) -> (i32, i32) {
    %c0_i32 = arith.constant 0 : i32
    %c0_i32_0 = arith.constant 0 : i32
    %c0_i32_1 = arith.constant 0 : i32
    return %c0_i32, %c0_i32_0 : i32, i32
  }
  func.func @transform_11(%arg0: i32) -> (i32, i32) {
    %c0_i32 = arith.constant 0 : i32
    %c0_i32_0 = arith.constant 0 : i32
    %c0_i32_1 = arith.constant 0 : i32
    return %c0_i32, %c0_i32_0 : i32, i32
  }
  func.func @transform_12(%arg0: i32) -> (i32, i32) {
    %c0_i32 = arith.constant 0 : i32
    %c0_i32_0 = arith.constant 0 : i32
    %c0_i32_1 = arith.constant 0 : i32
    return %c0_i32, %c0_i32_0 : i32, i32
  }
  func.func @transform_13(%arg0: i32) -> (i32, i32) {
    %c0_i32 = arith.constant 0 : i32
    %c0_i32_0 = arith.constant 0 : i32
    %c0_i32_1 = arith.constant 0 : i32
    return %c0_i32, %c0_i32_0 : i32, i32
  }
  func.func @transform_14(%arg0: i32) -> (i32, i32) {
    %c0_i32 = arith.constant 0 : i32
    %c0_i32_0 = arith.constant 0 : i32
    %c0_i32_1 = arith.constant 0 : i32
    return %c0_i32, %c0_i32_0 : i32, i32
  }
  func.func @transform_15(%arg0: i32) -> (i32, i32) {
    %c0_i32 = arith.constant 0 : i32
    %c0_i32_0 = arith.constant 0 : i32
    %c0_i32_1 = arith.constant 0 : i32
    return %c0_i32, %c0_i32_0 : i32, i32
  }
  func.func @transform_16(%arg0: i32) -> (i32, i32) {
    %c0_i32 = arith.constant 0 : i32
    %c0_i32_0 = arith.constant 0 : i32
    %c0_i32_1 = arith.constant 0 : i32
    return %c0_i32, %c0_i32_0 : i32, i32
  }
  func.func @transform_17(%arg0: i32) -> (i32, i32) {
    %c0_i32 = arith.constant 0 : i32
    %c0_i32_0 = arith.constant 0 : i32
    %c0_i32_1 = arith.constant 0 : i32
    return %c0_i32, %c0_i32_0 : i32, i32
  }
  func.func @transform_18(%arg0: i32) -> (i32, i32) {
    %c0_i32 = arith.constant 0 : i32
    %c0_i32_0 = arith.constant 0 : i32
    return %arg0, %c0_i32 : i32, i32
  }
}

</mosaic_0001>

<sc_bundles>
// kernel: kernel.4.cloned.1.call-start
scs
__scs_entry_jumppad:
0x0: {  	(pc) =	sbr.rel $0x88, $3  }
0x1: {  	(tag) =	ssettag $0x0;
	lr =	simm.s32 $0x1  }
0x2: {  	[smem:$0x3F90] =	sst lr;
	_ =	strace $0xD0000000  }
0x3: {  	_ = 	snop  }
0x4: {  	_ = 	snop  }
0x5: {  	_ = 	snop  }
0x6: {  	_ = 	snop  }
0x7: {  	_ = 	snop  }
__scs_overlays_trampoline_lowered:
0x8: {  	[smem:$0x3F9F] =	sst s0  }
0x9: {  	[smem:$0x3FA0] =	sst s1  }
0xa: {  	[smem:$0x3FA1] =	sst s2  }
0xb: {  	[smem:$0x3FA2] =	sst s3  }
0xc: {  	[smem:$0x3FA3] =	sst s4  }
0xd: {  	[smem:$0x3FA4] =	sst s5  }
0xe: {  	[smem:$0x3FA5] =	sst s6  }
0xf: {  	[smem:$0x3FA6] =	sst s7  }
0x10: {  	[smem:$0x3FA7] =	sst s8  }
0x11: {  	[smem:$0x3FA8] =	sst s9;
	s0 =	simm.s32 @!p0 $0x0  }
0x12: {  	s1 =	sld [smem:$0x3F8E];
	s0 =	simm.s32 @p0 $0x1  }
0x13: {  	[smem:$0x3FA9] =	sst s0;
	s0 =	simm.s32 @!p1 $0x0  }
0x14: {  	s2 =	sld [smem:$0x3F8D];
	s0 =	simm.s32 @p1 $0x1  }
0x15: {  	[smem:$0x3FAA] =	sst s0;
	s0 =	simm.s32 @!p2 $0x0  }
0x16: {  	s3 =	sld [smem:$0x3FDB];
	s0 =	simm.s32 @p2 $0x1  }
0x17: {  	s4 =	simm.s32 $0x1BF5;
	[smem:$0x3FAC] =	sst s0  }
0x18: {  	s0 =	sld [smem:$0x3F8F];
	_ =	swait.ge [sflag:s4], $0x0  }
0x19: {  	s7 =	sld [smem:$0x3F90]  }
0x1a: {  	s8 =	sadd.s32 $0xFFFFE003, lr  }
0x1b: {  	s9 =	sadd.s32 $0xFFFFFEF7, lr;
	s5 =	simm.s32 $0xFFFFFFFF;
	p2 =	slt.u32 s8, $0xFFFFF086  }
0x1c: {  	p1 =	slt.u32 s9, $0xF7A;
	s5 =	simm.s32 @!p2 $0x0  }
0x1d: {  	s5 =	simm.s32 @p1 $0x1;
	p0 =	seq.s32 s7, s2  }
0x1e: {  	s7 =	smul.u32 @!p0 $0xF7A, s2;
	p2 =	seq.s32 @!p0 s5, $0x0  }
0x1f: {  	s9 =	smul.u32 $0xF7A, s1;
	s8 =	simm.s32 @!p0 $0x1BF5;
	p2 =	por !p2, p0  }
0x20: {  	[sflag:s8] =	ssyncset.s32 @!p0 $0xFFFFF086;
	s6 =	sadd.s32 @!p0 s3, s7;
	s7 =	simm.s32 @!p0 $0x108  }
0x21: {  	s3 =	sadd.s32 s3, s9;
	s6 =	sadd.s32 @!p0 $0x88, s6;
	s7 =	simm.s32 @p2 $0x1082  }
0x22: {  	[simem:s7], [sflag:s8] =	dma.local @!p0 [hbm:s6], $0xF7A  }
0x23: {  	s9 =	sor.u32 $0xD0000000, s2;
	s6 =	simm.s32 $0x108;
	_ =	swait.ge @!p0 [sflag:s8], $0x0  }
0x24: {  	s3 =	sadd.s32 $0x88, s3;
	s6 =	simm.s32 @!p1 $0x1082;
	[sflag:s4] =	ssyncset.s32 $0xFFFFF086  }
0x25: {  	[simem:s6], [sflag:s4] =	dma.local [hbm:s3], $0xF7A  }
0x26: {  	[smem:$0x3F90] =	sst s1;
	(tag) =	ssettag s2;
	_ =	strace s9  }
0x27: {  	s1 =	sld [smem:$0x3FA0]  }
0x28: {  	s2 =	sld [smem:$0x3FA1]  }
0x29: {  	s4 =	sld [smem:$0x3FA3]  }
0x2a: {  	p0 =	seq.s32 s5, $0x0;
	s5 =	sld [smem:$0x3FA4]  }
0x2b: {  	s6 =	sld [smem:$0x3FA5]  }
0x2c: {  	s7 =	sld [smem:$0x3FA6]  }
0x2d: {  	s3 =	simm.s32 $0x108;
	s8 =	sld [smem:$0x3FA7]  }
0x2e: {  	s3 =	simm.s32 @!p0 $0x1082;
	s9 =	sld [smem:$0x3FA8]  }
0x2f: {  	lr =	sadd.s32 s0, s3;
	s0 =	sld [smem:$0x3F9F]  }
0x30: {  	s3 =	sld [smem:$0x3FA2]  }
0x31: {  	[smem:$0x3FAB] =	sst s10  }
0x32: {  	s10 =	sld [smem:$0x3FA9];
	_ =	sdelay $0x3  }
0x33: {  	p0 =	seq.s32 s10, $0x1;
	s10 =	sld [smem:$0x3FAB];
	_ =	sdelay $0x3  }
0x34: {  	[smem:$0x3FAB] =	sst s10  }
0x35: {  	s10 =	sld [smem:$0x3FAA];
	_ =	sdelay $0x3  }
0x36: {  	p1 =	seq.s32 s10, $0x1;
	s10 =	sld [smem:$0x3FAB];
	_ =	sdelay $0x3  }
0x37: {  	[smem:$0x3FAB] =	sst s10  }
0x38: {  	s10 =	sld [smem:$0x3FAC]  }
0x39: {  	_ = 	snop;
	(pc) =	sbr.ind lr, $3  }
0x3a: {  	_ = 	snop  }
0x3b: {  	_ = 	snop  }
0x3c: {  	p2 =	seq.s32 s10, $0x1;
	s10 =	sld [smem:$0x3FAB]  }
0x3d: {  	_ =	shalt  }
0x3e: {  	_ =	shalt  }
0x3f: {  	_ =	shalt  }
0x40: {  	_ =	shalt  }
0x41: {  	_ =	shalt  }
0x42: {  	_ =	shalt  }
0x43: {  	_ =	shalt  }
0x44: {  	_ =	shalt  }
0x45: {  	_ =	shalt  }
0x46: {  	_ =	shalt  }
0x47: {  	_ =	shalt  }
0x48: {  	_ =	shalt  }
0x49: {  	_ =	shalt  }
0x4a: {  	_ =	shalt  }
0x4b: {  	_ =	shalt  }
0x4c: {  	_ =	shalt  }
0x4d: {  	_ =	shalt  }
0x4e: {  	_ =	shalt  }
0x4f: {  	_ =	shalt  }
0x50: {  	_ =	shalt  }
0x51: {  	_ =	shalt  }
0x52: {  	_ =	shalt  }
0x53: {  	_ =	shalt  }
0x54: {  	_ =	shalt  }
0x55: {  	_ =	shalt  }
0x56: {  	_ =	shalt  }
0x57: {  	_ =	shalt  }
0x58: {  	_ =	shalt  }
0x59: {  	_ =	shalt  }
0x5a: {  	_ =	shalt  }
0x5b: {  	_ =	shalt  }
0x5c: {  	_ =	shalt  }
0x5d: {  	_ =	shalt  }
0x5e: {  	_ =	shalt  }
0x5f: {  	_ =	shalt  }
0x60: {  	_ =	shalt  }
0x61: {  	_ =	shalt  }
0x62: {  	_ =	shalt  }
0x63: {  	_ =	shalt  }
0x64: {  	_ =	shalt  }
0x65: {  	_ =	shalt  }
0x66: {  	_ =	shalt  }
0x67: {  	_ =	shalt  }
0x68: {  	_ =	shalt  }
0x69: {  	_ =	shalt  }
0x6a: {  	_ =	shalt  }
0x6b: {  	_ =	shalt  }
0x6c: {  	_ =	shalt  }
0x6d: {  	_ =	shalt  }
0x6e: {  	_ =	shalt  }
0x6f: {  	_ =	shalt  }
0x70: {  	_ =	shalt  }
0x71: {  	_ =	shalt  }
0x72: {  	_ =	shalt  }
0x73: {  	_ =	shalt  }
0x74: {  	_ =	shalt  }
0x75: {  	_ =	shalt  }
0x76: {  	_ =	shalt  }
0x77: {  	_ =	shalt  }
0x78: {  	_ =	shalt  }
0x79: {  	_ =	shalt  }
0x7a: {  	_ =	shalt  }
0x7b: {  	_ =	shalt  }
0x7c: {  	_ =	shalt  }
0x7d: {  	_ =	shalt  }
0x7e: {  	_ =	shalt  }
0x7f: {  	_ =	shalt  }
0x80: {  	_ =	shalt  }
0x81: {  	_ =	shalt  }
0x82: {  	_ =	shalt  }
0x83: {  	_ =	shalt  }
0x84: {  	_ =	shalt  }
0x85: {  	_ =	shalt  }
0x86: {  	_ =	shalt  }
0x87: {  	_ =	shalt  }
.Lfunc_end0:
.L_simem_size_0:
called_computation_lowered:
.L_overlay_start_0:
0x88: {  	s2 =	sld [smem:$0x3FD9]  }
0x89: {  	s3 =	sld [smem:$0x3FFE];
	_ =	sdelay $0x1  }
0x8a: {  	s1 =	srdreg.scid  }
0x8b: {  	s0 =	sand.u32 $0x1, s1  }
0x8c: {  	s16 =	sshll.u32 s0, $0xA;
	s2 =	sadd.s32 s3, s2  }
0x8d: {  	s2 =	sadd.s32 s2, s16  }
0x8e: {  	[smem:$0x3FB7] =	sst s2  }
0x8f: {  	_ = 	snop  }
0x90: {  	(tm) =	ssettm $0x1  }
0x91: {  	s17 =	sld [smem:$0x3FFB];
	_ =	sdelay $0x3  }
0x92: {  	_ =	strace s17  }
0x93: {  	s2 =	sld [smem:$0x3FFC];
	_ =	sdelay $0x3  }
0x94: {  	_ =	strace s2  }
0x95: {  	s2 =	sld [smem:$0x3FFD];
	_ =	sdelay $0x3  }
0x96: {  	_ =	strace s2  }
0x97: {  	_ =	strace $0x8FFFFFFF  }
0x98: {  	s18 =	sld [smem:$0x3FDB];
	_ =	sdelay $0x1  }
0x99: {  	s19 =	simm.s32 $_scs_section_size  }
0x9a: {  	s4 =	simm.s32 $_size__tile_overlayer_lowered;
	s5 =	simm.s32 $_tile_overlayer_lowered  }
0x9b: {  	s22 =	simm.s32 $0x1BFF;
	s21 =	sshll.u32 s5, $0x1;
	s2 =	sadd.s32 s19, s18  }
0x9c: {  	s6 =	simm.s32 $0x0;
	s20 =	sshll.u32 s4, $0x1;
	s4 =	sadd.s32 s21, s2  }
0x9d: {  	[timem:s6], [sflag:s22] =	dma.local [hbm:s4], s20  }
0x9e: {  	_ =	swait.ge [sflag:s22], s20  }
0x9f: {  	s3 =	ssub.s32 $0x0, s20;
	[sflag:s22] =	ssyncset.done $0x0  }
0xa0: {  	[sflag:s22] =	ssyncadd.s32 s3;
	_ =	sdelay $0x1  }
0xa1: {  	s23 =	simm.s32 $0x1B8B  }
0xa2: {  	_ =	swait.ge [sflag:s23], $0x1  }
0xa3: {  	[sflag:s23] =	ssyncset.done $0x0  }
0xa4: {  	s25 =	simm.s32 $0x1B8E;
	s24 =	sld [smem:$0x3FFE];
	[sflag:s23] =	ssyncadd.s32 $0xFFFFFFFF  }
0xa5: {  	s26 =	simm.s32 $execute0_lowered;
	[smem:$0x3FD2] =	sst s25  }
0xa6: {  	s4 =	sshll.u32 s26, $0x1;
	_ =	strace $0x80000046;
	[dreg:$0x1] =	wrdreg $0xFFFFFFFF  }
0xa7: {  	s28 =	simm.s32 $_size_execute0_lowered;
	s2 =	sadd.s32 s2, s4;
	[dreg:$0x0] =	wrdreg $0x0  }
0xa8: {  	s4 =	sshll.u32 s28, $0x1;
	[dreg:$0x2] =	wrdreg s2  }
0xa9: {  	[dreg:$0x3] =	wrdreg s4  }
0xaa: {  	[dreg:$0x4] =	wrdreg $0xC0  }
0xab: {  	_ =	task [dreg:s6], $0x5FFFF  }
0xac: {  	[dreg:$0x1] =	wrdreg $0xFFFFFFFF  }
0xad: {  	[dreg:$0x0] =	wrdreg $0x60  }
0xae: {  	[dreg:$0x2] =	wrdreg s24  }
0xaf: {  	[dreg:$0x3] =	wrdreg $0x9  }
0xb0: {  	_ =	task.clear_ibuf [dreg:s6], $0x4FFFF;
	_ =	strace $0x90000046  }
0xb1: {  	s29 =	simm.s32 $0x9;
	_ =	strace $0x80000048  }
0xb2: {  	_ =	swait.ge [sflag:s29], $0x1  }
0xb3: {  	[sflag:s29] =	ssyncadd.s32 $0xFFFFFFFF  }
0xb4: {  	_ =	strace $0x90000048  }
0xb5: {  	_ =	sfence  }
0xb6: {  	s30 =	sld [smem:$0x0];
	_ =	sdelay $0x2  }
0xb7: {  	s31 =	sshll.u32 s1, $0xD;
	s1 =	sshrl.u32 s1, $0x2  }
0xb8: {  	s3 =	sand.u32 $0x4000, s31;
	s1 =	sadd.s32 s1, s30  }
0xb9: {  	s0 =	sor.u32 s3, s0;
	s1 =	sshll.u32 s1, $0x11  }
0xba: {  	s0 =	sor.u32 s1, s0  }
0xbb: {  	s0 =	sadd.s32 $0x8F2B, s0  }
0xbc: {  	[sflag:s0] =	ssyncadd.remote.s32 $0x1  }
0xbd: {  	_ =	sfence.sel $0xFFFF  }
0xbe: {  	[dreg:$0x0] =	wrdreg $0xFFFFFFFF;
	(pc) =	sbr.abs _section_cstart, $3  }
0xbf: {  	[dreg:$0x1] =	wrdreg $0xFFFFFFFF  }
0xc0: {  	_ =	task.clear_ibuf [dreg:s6], $0x2FFFF;
	_ =	strace $0x9FFFFFFF  }
0xc1: {  	(tm) =	ssettm $0x7FFFFFFF  }
tec
execute0_lowered:
.L_overlay_start_1:
0x0: {  	(tag) =	ssettag $0x1  }
0x1: {  	s1 =	srdreg.scid  }
0x2: {  	s0 =	stileid.u32;
	s4 =	rddreg [dreg:$0x0]  }
0x3: {  	s2 =	simm.s32 $0x0;
	s11 =	simm.s32 $0x80;
	s12 =	simm.s32 $0x1A00  }
0x4: {  	s13 =	simm.s32 $0x1;
	s14 =	simm.s32 $0x2;
	s15 =	simm.s32 $0x0  }
0x5: {  	s5 =	sand.u32 $0x1, s1;
	s3 =	sshll.u32 s0, $0x1;
	s1 =	rddreg [dreg:$0x1]  }
0x6: {  	[smem:$0x7FF] =	sst s2;
	s8 =	smul.u32 $0x34, s0;
	s3 =	sor.u32 s5, s3  }
0x7: {  	_ =	strace $0x80000047;
	s7 =	ssub.s32 $0x2, s5;
	s10 =	smul.u32 $0x1A, s5  }
0x8: {  	s6 =	smul.u32 $0x1A0, s3;
	s3 =	sadd.s32 $0x27AEE00, s4;
	s9 =	sshrl.u32 s7, $0x1  }
0x9: {  	s7 =	ssub.s32 s7, s9;
	s8 =	sadd.s32 s10, s8;
	s9 =	simm.s32 $0x3  }
0xa: {  	s10 =	simm.s32 $0xD00;
	s6 =	sadd.s32 s6, s4;
	s4 =	sadd.s32 $0x9200, s4  }
0xb: {  	s7 =	smax.u32 s7, $0x1;
	s5 =	sadd.s32 $0x5E00, s6;
	s6 =	sadd.s32 $0x2A00, s6  }
.LBB2_1:
0xc: {  	[tilespmem:s2], [sflag:$0x3] =	stream.linear.gather [hbm4b:s5+s2], $0xD00, $0x38;
	[tilespmem:$0x3A00] =	vst v63  }
0xd: {  	_ =	swait.ge [sflag:s9], $0xD00  }
0xe: {  	[sflag:s9] =	ssyncset.done $0x0  }
0xf: {  	s16 =	sshrl.u32 s8, $0x5;
	[sflag:s9] =	ssyncadd.s32 $0xFFFFF300  }
0x10: {  	[tilespmem:s10], [sflag:$0x3] =	stream.linear.gather [hbm4b:s6+s2], $0xD00, $0x38;
	[tilespmem:$0x3A00] =	vst v63  }
0x11: {  	s16 =	smul.u32 $0xC3500, s16;
	_ =	swait.ge [sflag:s9], $0xD00  }
0x12: {  	[sflag:s9] =	ssyncset.done $0x0  }
0x13: {  	s17 =	simm.s32 $0x0;
	s16 =	sadd.s32 s3, s16;
	[sflag:s9] =	ssyncadd.s32 $0xFFFFF300  }
0x14: {  	[tilespmem:s12], [sflag:$0x1] =	stream.indirect.gather [hbm4b:s16+s11], $0x40, s17, s11, $0xb8;
	[tilespmem:$0x3A00] =	vst v63  }
0x15: {  	_ =	swait.ge [sflag:s13], $0x2000  }
0x16: {  	s16 =	sadd.s32 $0x1, s8;
	[sflag:s13] =	ssyncset.done $0x0  }
0x17: {  	s31 =	simm.s32 $0xD00;
	s19 =	sshrl.u32 s16, $0x5;
	[sflag:s13] =	ssyncadd.s32 $0xFFFFE000  }
0x18: {  	[hbm4b:s4+s11] =	stream.indirect.scatter [tilespmem:s12], [sflag:$0x2], $0x40, s31, s11, $0xb8;
	[tilespmem:$0x3A00] =	vst v63  }
0x19: {  	s19 =	smul.u32 $0xC3500, s19;
	_ =	swait.ge [sflag:s14], $0x2000  }
0x1a: {  	s18 =	simm.s32 $0x400;
	s17 =	simm.s32 $0x80;
	[sflag:s14] =	ssyncset.done $0x0  }
.LBB2_2:
0x1b: {  	s20 =	sshra.s32 s18, $0x2;
	s19 =	sadd.s32 s3, s19;
	[sflag:s14] =	ssyncadd.s32 $0xFFFFE000  }
0x1c: {  	[tilespmem:s12], [sflag:$0x1] =	stream.indirect.gather [hbm4b:s19+s11], $0x40, s17, s11, $0xb8;
	[tilespmem:$0x3A00] =	vst v63  }
0x1d: {  	p0 =	sne.s32 s18, $0x3200;
	s18 =	sadd.s32 $0x200, s18;
	_ =	swait.ge [sflag:s13], $0x2000  }
.Ltmp0:
0x1e: {  	s16 =	sadd.s32 $0x1, s16;
	[sflag:s13] =	ssyncset.done $0x0;
	(pc) =	sbr.rel @p0 .LBB2_2-.Ltmp0, $4  }
0x1f: {  	s19 =	sshrl.u32 s16, $0x5;
	s17 =	sadd.s32 $0xD00, s17;
	[sflag:s13] =	ssyncadd.s32 $0xFFFFE000  }
0x20: {  	[hbm4b:s4+s11] =	stream.indirect.scatter [tilespmem:s12], [sflag:$0x2], $0x40, s17, s11, $0xb8;
	[tilespmem:$0x3A00] =	vst v63  }
0x21: {  	s19 =	smul.u32 $0xC3500, s19;
	s17 =	smov.u32 s20;
	_ =	swait.ge [sflag:s14], $0x2000  }
0x22: {  	[sflag:s14] =	ssyncset.done $0x0  }
0x23: {  	s16 =	sadd.s32 s3, s19;
	[sflag:s14] =	ssyncadd.s32 $0xFFFFE000  }
0x24: {  	[tilespmem:s12], [sflag:$0x1] =	stream.indirect.gather [hbm4b:s16+s11], $0x40, s17, s11, $0xb8;
	[tilespmem:$0x3A00] =	vst v63  }
0x25: {  	s15 =	sadd.s32 $0x1, s15;
	_ =	swait.ge [sflag:s13], $0x2000  }
0x26: {  	p0 =	sne.s32 s15, s7;
	[sflag:s13] =	ssyncset.done $0x0  }
.Ltmp1:
0x27: {  	s31 =	sadd.s32 $0xD00, s17;
	[sflag:s13] =	ssyncadd.s32 $0xFFFFE000;
	(pc) =	sbr.rel @p0 .LBB2_1-.Ltmp1, $4  }
0x28: {  	[hbm4b:s4+s11] =	stream.indirect.scatter [tilespmem:s12], [sflag:$0x2], $0x40, s31, s11, $0xb8;
	[tilespmem:$0x3A00] =	vst v63  }
0x29: {  	_ =	swait.ge [sflag:s14], $0x2000  }
0x2a: {  	[sflag:s14] =	ssyncset.done $0x0  }
0x2b: {  	[sflag:s14] =	ssyncadd.s32 $0xFFFFE000  }
0x2c: {  	_ =	sfence.sel $0x180000  }
0x2d: {  	[bflag:$0x0] =	sbarrier.arrive $0xFFFF  }
0x2e: {  	p0 =	sne.s32 s0, $0x0;
	_ =	strace $0x90000047  }
0x2f: {  	s0 =	sadd.s32 @!p0 $0x100000, s1;
	[bflag:$0x2] =	sbarrier.arrive $0xFFFF  }
0x30: {  	[sflag:s0] =	ssyncadd.tile.s32 @!p0 $0x1;
	_ =	shalt  }
.Lfunc_end2:
_tile_overlayer_lowered:
.L_overlay_start_2:
0x31: {  	(tag) =	ssettag $0x2  }
0x32: {  	s0 =	rddreg [dreg:$0x0];
	s2 =	stileid.u32  }
0x33: {  	s1 =	rddreg [dreg:$0x1];
	p0 =	sne.s32 s2, $0x0  }
0x34: {  	s3 =	rddreg [dreg:$0x2];
	[bflag:$0x3] =	sbarrier.arrive $0xFFFF;
	s2 =	simm.s32 @!p0 $0x1C03  }
0x35: {  	[timem:s3], [sflag:s2] =	dma.local @!p0 [hbm:s0], s1  }
0x36: {  	s0 =	simm.s32 @!p0 $0x3  }
0x37: {  	_ =	swait.ge @!p0 [sflag:s0], s1  }
0x38: {  	s1 =	ssub.s32 @!p0 $0x0, s1;
	[sflag:s0] =	ssyncset.done @!p0 $0x0  }
0x39: {  	[sflag:s0] =	ssyncadd.s32 @!p0 s1  }
0x3a: {  	[bflag:$0x3] =	sbarrier.arrive $0xFFFF  }
0x3b: {  	_ =	shalt  }

</sc_bundles>
